<compile_context>
chip_gen: v7x
topology: tpu7x:2x2x1
jax: 0.10.2.dev20260603
libtpu: 0.0.44.dev20260713+nightly
codegen_flags: <defaults>
</compile_context>

<pallas_src>
import functools
import jax
import jax.numpy as jnp
from jax import lax
from jax.experimental import pallas as pl
from jax.experimental.pallas import tpu as pltpu
from jax.experimental.pallas import tpu_sc as plsc

N, E, DF, DE, H, OUT, L, G = 10000, 320000, 128, 16, 128, 128, 3, 128

NW = 32
EPW = 10240
EP = NW * EPW
CH = 64
CPW = EPW // CH
NPAD = 10240
RPT = NPAD // 16
F32 = jnp.float32

_sc_mesh = plsc.VectorSubcoreMesh(core_axis_name="c", subcore_axis_name="s")
_sc_params = pltpu.CompilerParams(needs_layout_passes=False)


def _dis_body(pos_hbm, src_hbm, dst_hbm, o0, o1, o2, posv, ia, ib, d0, d1, d2):
    c = lax.axis_index("c")
    s = lax.axis_index("s")
    wid = s * 2 + c
    pltpu.sync_copy(pos_hbm, posv)
    pltpu.sync_copy(src_hbm.at[pl.ds(wid * EPW, EPW)], ia)
    pltpu.sync_copy(dst_hbm.at[pl.ds(wid * EPW, EPW)], ib)
    dbufs = (d0, d1, d2)

    def grp(g, carry):
        sl = pl.ds(g * 16, 16)
        sa = ia[sl] * 4
        sb = ib[sl] * 4
        for comp in range(3):
            va = plsc.load_gather(posv, [sa + comp])
            vb = plsc.load_gather(posv, [sb + comp])
            dbufs[comp][sl] = jnp.abs(va - vb)
        return carry

    lax.fori_loop(0, EPW // 16, grp, 0)
    for comp, oref in enumerate((o0, o1, o2)):
        pltpu.sync_copy(dbufs[comp], oref.at[pl.ds(wid * EPW, EPW)])


@jax.jit
def _sc_dis(pos4, src_p, dst_p):
    k = pl.kernel(
        _dis_body,
        mesh=_sc_mesh,
        compiler_params=_sc_params,
        out_type=[jax.ShapeDtypeStruct((EP,), F32)] * 3,
        scratch_types=[
            pltpu.VMEM((N * 4,), F32),
            pltpu.VMEM((EPW,), jnp.int32),
            pltpu.VMEM((EPW,), jnp.int32),
            pltpu.VMEM((EPW,), F32),
            pltpu.VMEM((EPW,), F32),
            pltpu.VMEM((EPW,), F32),
        ],
    )
    return k(pos4, src_p, dst_p)


def _edge_body(h_hbm, ea_hbm, src_hbm, dst_hbm, out_hbm, agg, ea0, ea1, hb0,
               hb1, isrc, id0, id1, sea0, sea1, sh0, sh1, ssc0, ssc1, sid0,
               sid1):
    c = lax.axis_index("c")
    s = lax.axis_index("s")
    wid = s * 2 + c
    eab = (ea0, ea1)
    hbb = (hb0, hb1)
    idb = (id0, id1)
    sea = (sea0, sea1)
    shh = (sh0, sh1)
    ssc = (ssc0, ssc1)
    sid = (sid0, sid1)

    def zrow(i, carry):
        for j in range(H // 16):
            ea0[i, pl.ds(j * 16, 16)] = jnp.zeros((16,), F32)
        return carry

    lax.fori_loop(0, CH, zrow, 0)
    for k in range(RPT // CH):
        pltpu.sync_copy(ea0, agg.at[pl.ds(s * RPT + k * CH, CH)])

    pltpu.sync_copy(src_hbm.at[pl.ds(wid * EPW, EPW)], isrc)
    plsc.subcore_barrier()

    def start_dat(ci, k):
        base = wid * EPW + ci * CH
        pltpu.async_copy(dst_hbm.at[pl.ds(base, CH)], idb[k], sid[k])
        pltpu.async_copy(ea_hbm.at[pl.ds(base, CH)], eab[k], sea[k])
        pltpu.async_copy(h_hbm.at[isrc.at[pl.ds(ci * CH, CH)]], hbb[k], shh[k])

    def wait_dat(k):
        pltpu.make_async_copy(dst_hbm.at[pl.ds(0, CH)], idb[k], sid[k]).wait()
        pltpu.make_async_copy(ea_hbm.at[pl.ds(0, CH)], eab[k], sea[k]).wait()
        pltpu.make_async_copy(h_hbm.at[isrc.at[pl.ds(0, CH)]], hbb[k],
                              shh[k]).wait()

    def compute(k):
        def row(e, carry2):
            for j in range(H // 16):
                sl = pl.ds(j * 16, 16)
                eab[k][e, sl] = jnp.maximum(eab[k][e, sl] + hbb[k][e, sl], 0.0)
            return carry2

        lax.fori_loop(0, CH, row, 0)

    def start_scatter(ci, k):
        pltpu.async_copy(eab[k], agg.at[idb[k]], ssc[k], add=True)

    def wait_scatter(k):
        pltpu.make_async_copy(eab[k], agg.at[idb[k]], ssc[k]).wait()

    start_dat(0, 0)
    wait_dat(0)
    start_dat(1, 1)
    compute(0)
    start_scatter(0, 0)
    wait_dat(1)
    compute(1)
    start_scatter(1, 1)
    wait_scatter(0)
    start_dat(2, 0)

    def pair(m, carry):
        i0 = 2 + 2 * m
        wait_scatter(1)
        start_dat(i0 + 1, 1)
        wait_dat(0)
        compute(0)
        start_scatter(i0, 0)
        wait_dat(1)
        compute(1)
        start_scatter(i0 + 1, 1)
        wait_scatter(0)

        @pl.when(i0 + 2 < CPW)
        def _():
            start_dat(i0 + 2, 0)

        return carry

    lax.fori_loop(0, (CPW - 2) // 2, pair, 0)
    wait_scatter(1)
    plsc.subcore_barrier()

    for k in range(RPT // CH):
        r0 = s * RPT + k * CH
        pltpu.sync_copy(agg.at[pl.ds(r0, CH)], ea0)
        pltpu.sync_copy(ea0, out_hbm.at[pl.ds(c * NPAD + r0, CH)])


@jax.jit
def _sc_edge_pass(h, ea_enc, src_p, dst_p):
    k = pl.kernel(
        _edge_body,
        mesh=_sc_mesh,
        compiler_params=_sc_params,
        out_type=jax.ShapeDtypeStruct((2 * NPAD, H), F32),
        scratch_types=[
            pltpu.VMEM_SHARED((NPAD, H), F32),
            pltpu.VMEM((CH, H), F32),
            pltpu.VMEM((CH, H), F32),
            pltpu.VMEM((CH, H), F32),
            pltpu.VMEM((CH, H), F32),
            pltpu.VMEM((EPW,), jnp.int32),
            pltpu.VMEM((CH,), jnp.int32),
            pltpu.VMEM((CH,), jnp.int32),
        ] + [pltpu.SemaphoreType.DMA] * 8,
    )
    return k(h, ea_enc, src_p, dst_p)


def _h0_body(x_ref, w_ref, g_ref, b_ref, o_ref):
    z = jnp.dot(x_ref[...], w_ref[...], preferred_element_type=F32)
    mu = jnp.mean(z, axis=0, keepdims=True)
    var = jnp.mean(z * z, axis=0, keepdims=True) - mu * mu
    zn = (z - mu) * lax.rsqrt(var + 1e-5) * g_ref[...] + b_ref[...]
    o_ref[...] = jnp.maximum(zn, 0.0)


@jax.jit
def _tc_h0(x, W_in, g2, b2):
    return pl.pallas_call(
        _h0_body,
        out_shape=jax.ShapeDtypeStruct((N, H), F32),
    )(x, W_in, g2, b2)


_STB = 2048


_DN0 = (((0,), (0,)), ((), ()))


def _stats_body(ea_ref, d0_ref, d1_ref, d2_ref, we_ref, wp_ref,
                sze_ref, qze_ref, szd_ref, qzd_ref):
    @pl.when(pl.program_id(0) == 0)
    def _():
        sze_ref[...] = jnp.zeros_like(sze_ref)
        qze_ref[...] = jnp.zeros_like(qze_ref)
        szd_ref[...] = jnp.zeros_like(szd_ref)
        qzd_ref[...] = jnp.zeros_like(qzd_ref)

    ze = jnp.dot(ea_ref[...], we_ref[...], preferred_element_type=F32)
    d = jnp.concatenate([d0_ref[...], d1_ref[...], d2_ref[...]], axis=0)
    zd = lax.dot_general(d, wp_ref[...], _DN0, preferred_element_type=F32)
    sze_ref[...] += jnp.sum(ze, axis=0, keepdims=True)
    qze_ref[...] += jnp.sum(ze * ze, axis=0, keepdims=True)
    szd_ref[...] += jnp.sum(zd, axis=0, keepdims=True)
    qzd_ref[...] += jnp.sum(zd * zd, axis=0, keepdims=True)


@jax.jit
def _tc_stats(ea_p, d0, d1, d2, W_e, W_p):
    nb = EP // _STB
    drow = pl.BlockSpec((1, _STB), lambda i: (0, i))
    srow = pl.BlockSpec((1, H), lambda i: (0, 0))
    return pl.pallas_call(
        _stats_body,
        grid=(nb,),
        in_specs=[
            pl.BlockSpec((_STB, DE), lambda i: (i, 0)), drow, drow, drow,
            pl.BlockSpec((DE, H), lambda i: (0, 0)),
            pl.BlockSpec((3, H), lambda i: (0, 0)),
        ],
        out_specs=[srow, srow, srow, srow],
        out_shape=[jax.ShapeDtypeStruct((1, H), F32)] * 4,
    )(ea_p, d0, d1, d2, W_e, W_p)


def _enc_body(ea_ref, d0_ref, d1_ref, d2_ref, sze_ref, qze_ref, szd_ref,
              qzd_ref, we_ref, ge_ref, be_ref, wp_ref, gp_ref, bp_ref, o_ref):
    inv_e = 1.0 / E

    me = sze_ref[...] * inv_e
    ve = qze_ref[...] * inv_e - me * me
    sce = ge_ref[...] * lax.rsqrt(ve + 1e-5)
    a = jnp.dot(ea_ref[...], we_ref[...], preferred_element_type=F32)
    a = jnp.maximum((a - me) * sce + be_ref[...], 0.0)

    md = szd_ref[...] * inv_e
    vd = qzd_ref[...] * inv_e - md * md
    scd = gp_ref[...] * lax.rsqrt(vd + 1e-5)
    d = jnp.concatenate([d0_ref[...], d1_ref[...], d2_ref[...]], axis=0)
    b = lax.dot_general(d, wp_ref[...], _DN0, preferred_element_type=F32)
    b = jnp.maximum((b - md) * scd + bp_ref[...], 0.0)
    o_ref[...] = a + b


@jax.jit
def _tc_encode(ea_p, d0, d1, d2, sze, qze, szd, qzd, W_e, g_e2, b_e2, W_p,
               g_p2, b_p2):
    nb = EP // _STB
    drow = pl.BlockSpec((1, _STB), lambda i: (0, i))
    srow = pl.BlockSpec((1, H), lambda i: (0, 0))
    small = [
        srow, srow, srow, srow,
        pl.BlockSpec((DE, H), lambda i: (0, 0)),
        srow, srow,
        pl.BlockSpec((3, H), lambda i: (0, 0)),
        srow, srow,
    ]
    return pl.pallas_call(
        _enc_body,
        grid=(nb,),
        in_specs=[
            pl.BlockSpec((_STB, DE), lambda i: (i, 0)), drow, drow, drow,
        ] + small,
        out_specs=pl.BlockSpec((_STB, H), lambda i: (i, 0)),
        out_shape=jax.ShapeDtypeStruct((EP, H), F32),
    )(ea_p, d0, d1, d2, sze, qze, szd, qzd, W_e, g_e2, b_e2, W_p, g_p2, b_p2)


def _layer_body(h_ref, a0_ref, a1_ref, w_ref, eps_ref, g_ref, b_ref, o_ref,
                *, residual):
    h = h_ref[...]
    u = (1.0 + eps_ref[0, 0]) * h + a0_ref[...] + a1_ref[...]
    z = jnp.dot(u, w_ref[...], preferred_element_type=F32)
    mu = jnp.mean(z, axis=0, keepdims=True)
    var = jnp.mean(z * z, axis=0, keepdims=True) - mu * mu
    zn = (z - mu) * lax.rsqrt(var + 1e-5) * g_ref[...] + b_ref[...]
    r = jnp.maximum(zn, 0.0)
    if residual:
        r = r + h
    o_ref[...] = r


@functools.partial(jax.jit, static_argnames=("residual",))
def _tc_layer(h, a0, a1, W, eps1, g2, b2, residual):
    return pl.pallas_call(
        functools.partial(_layer_body, residual=residual),
        out_shape=jax.ShapeDtypeStruct((N, H), F32),
    )(h, a0, a1, W, eps1, g2, b2)


def _pool_body(h_ref, b_ref, w1_ref, g_ref, bo_ref, w2_ref, o_ref):
    oh = (b_ref[...] == lax.broadcasted_iota(jnp.int32, (1, G), 1)).astype(F32)
    dn = (((0,), (0,)), ((), ()))
    gp = lax.dot_general(oh, h_ref[...], dn, preferred_element_type=F32,
                         precision=lax.Precision.HIGHEST)
    q = jnp.dot(gp, w1_ref[...], preferred_element_type=F32)
    mu = jnp.mean(q, axis=0, keepdims=True)
    var = jnp.mean(q * q, axis=0, keepdims=True) - mu * mu
    qn = (q - mu) * lax.rsqrt(var + 1e-5) * g_ref[...] + bo_ref[...]
    o_ref[...] = jnp.dot(jnp.maximum(qn, 0.0), w2_ref[...],
                         preferred_element_type=F32)


@jax.jit
def _tc_pool(h, b2, W_o1, g2, bo2, W_o2):
    return pl.pallas_call(
        _pool_body,
        out_shape=jax.ShapeDtypeStruct((G, OUT), F32),
    )(h, b2, W_o1, g2, bo2, W_o2)


def kernel(x, edge_index, edge_attr, pos, batch, W_in, g_in, b_in, W_e, g_e,
           b_e, W_p, g_p, b_p, W_convs, eps, g_n, b_n, W_o1, g_o, b_o, W_o2):
    src = edge_index[0].astype(jnp.int32)
    dst = edge_index[1].astype(jnp.int32)
    padn = EP - E
    src_p = jnp.concatenate([src, jnp.zeros((padn,), jnp.int32)])
    dst_dis = jnp.concatenate([dst, jnp.zeros((padn,), jnp.int32)])
    dst_conv = jnp.concatenate([dst, jnp.full((padn,), N, jnp.int32)])
    pos4 = jnp.pad(pos.astype(F32), ((0, 0), (0, 4 - pos.shape[1]))).reshape(-1)
    ea_p = jnp.pad(edge_attr, ((0, padn), (0, 0)))

    r2 = lambda a: a.reshape(1, -1)

    d0, d1, d2 = _sc_dis(pos4, src_p, dst_dis)
    d0, d1, d2 = r2(d0), r2(d1), r2(d2)
    sze, qze, szd, qzd = _tc_stats(ea_p, d0, d1, d2, W_e, W_p)
    ea_enc = _tc_encode(ea_p, d0, d1, d2, sze, qze, szd, qzd,
                        W_e, r2(g_e), r2(b_e), W_p, r2(g_p), r2(b_p))
    h = _tc_h0(x, W_in, r2(g_in), r2(b_in))

    for l in range(L):
        agg = _sc_edge_pass(h, ea_enc, src_p, dst_conv)
        h = _tc_layer(h, agg[:N], agg[NPAD:NPAD + N], W_convs[l],
                      eps[l].reshape(1, 1), r2(g_n[l]), r2(b_n[l]),
                      residual=(l > 0))

    return _tc_pool(h, batch.astype(jnp.int32).reshape(N, 1),
                    W_o1, r2(g_o), r2(b_o), W_o2)

# --- scband reference (transcript-rebuilt; emitter-appended) ---
"""Pipeline reference for scband-gnn-69028714381391 (READ-ONLY COPY).

The authoritative reference and input builder live on the scoring server;
editing this copy changes nothing except your own understanding.
"""

import jax, jax.numpy as jnp
import numpy as np

N, E, DF, DE, H, OUT, L, G = 10000, 320000, 128, 16, 128, 128, 3, 128


def bn(x, g, b):
    m = x.mean(axis=0)
    v = x.var(axis=0)
    return (x - m) / jnp.sqrt(v + 1e-5) * g + b


def setup_inputs(seed: int = 0) -> dict:
    key = jax.random.key(seed)
    ks = jax.random.split(key, 16)
    x = jax.random.normal(ks[0], (N, DF), dtype=jnp.float32)
    edge_index = jax.random.randint(ks[1], (2, E), 0, N, dtype=jnp.int64)
    edge_attr = jax.random.normal(ks[2], (E, DE), dtype=jnp.float32)
    pos = jax.random.normal(ks[3], (N, 3), dtype=jnp.float32)
    batch = jnp.sort(jax.random.randint(ks[4], (N,), 0, G, dtype=jnp.int64))
    s = lambda k, shp: (jax.random.normal(k, shp, dtype=jnp.float32) * 0.05)
    return {
        'x': x, 'edge_index': edge_index, 'edge_attr': edge_attr, 'pos': pos, 'batch': batch,
        'W_in': s(ks[5], (DF, H)), 'g_in': jnp.ones((H,), jnp.float32), 'b_in': jnp.zeros((H,), jnp.float32),
        'W_e': s(ks[6], (DE, H)), 'g_e': jnp.ones((H,), jnp.float32), 'b_e': jnp.zeros((H,), jnp.float32),
        'W_p': s(ks[7], (3, H)), 'g_p': jnp.ones((H,), jnp.float32), 'b_p': jnp.zeros((H,), jnp.float32),
        'W_convs': s(ks[8], (L, H, H)), 'eps': jnp.zeros((L,), jnp.float32),
        'g_n': jnp.ones((L, H), jnp.float32), 'b_n': jnp.zeros((L, H), jnp.float32),
        'W_o1': s(ks[9], (H, H)), 'g_o': jnp.ones((H,), jnp.float32), 'b_o': jnp.zeros((H,), jnp.float32),
        'W_o2': s(ks[10], (H, OUT)),
    }


def reference(x, edge_index, edge_attr, pos, batch, W_in, g_in, b_in, W_e, g_e, b_e, W_p, g_p, b_p, W_convs, eps, g_n, b_n, W_o1, g_o, b_o, W_o2):
    src = edge_index[0]
    dst = edge_index[1]
    # input encoder: MLP(nfeat_node, nhid, 1) = linear + BN + ReLU
    h = jax.nn.relu(bn(x @ W_in, g_in, b_in))
    # edge encoder
    ea = jax.nn.relu(bn(edge_attr @ W_e, g_e, b_e))
    # pos encoder on |pos[src] - pos[dst]|
    dis = jnp.abs(pos[src] - pos[dst])
    ea = ea + jax.nn.relu(bn(dis @ W_p, g_p, b_p))
    prev = jnp.zeros_like(h)
    for l in range(L):
        # GINEConv-style: message = relu(x_src + edge_attr), scatter-add to dst
        m = jax.nn.relu(h[src] + ea)
        agg = jax.ops.segment_sum(m, dst, num_segments=N)
        h2 = ((1.0 + eps[l]) * h + agg) @ W_convs[l]
        h2 = bn(h2, g_n[l], b_n[l])
        h2 = jax.nn.relu(h2)
        # dropout p=0 -> identity; residual
        h2 = h2 + prev
        prev = h2
        h = h2
    # graph pooling: scatter-add over batch ids
    gp = jax.ops.segment_sum(h, batch, num_segments=G)
    # output encoder: MLP nlayer=2, with_norm=True, no final activation
    out = jax.nn.relu(bn(gp @ W_o1, g_o, b_o)) @ W_o2
    return out

if __name__ == "__main__":
    import jax
    _d = setup_inputs()
    print(jax.jit(kernel)(*tuple(_d.values())))

</pallas_src>

<mosaic_0001>
#map = affine_map<(d0, d1) -> (0)>
module attributes {stable_mosaic.version = 14 : i64} {
  func.func @_dis_body(%arg0: i32, %arg1: i32, %arg2: memref<40000xf32, #tpu.memory_space<hbm>>, %arg3: memref<327680xi32, #tpu.memory_space<hbm>>, %arg4: memref<327680xi32, #tpu.memory_space<hbm>>, %arg5: memref<327680xf32, #tpu.memory_space<hbm>>, %arg6: memref<327680xf32, #tpu.memory_space<hbm>>, %arg7: memref<327680xf32, #tpu.memory_space<hbm>>, %arg8: memref<40000xf32, #tpu.memory_space<vmem>>, %arg9: memref<10240xi32, #tpu.memory_space<vmem>>, %arg10: memref<10240xi32, #tpu.memory_space<vmem>>, %arg11: memref<10240xf32, #tpu.memory_space<vmem>>, %arg12: memref<10240xf32, #tpu.memory_space<vmem>>, %arg13: memref<10240xf32, #tpu.memory_space<vmem>>) attributes {dimension_semantics = [#tpu.dimension_semantics<core_parallel>, #tpu.dimension_semantics<subcore_parallel>], iteration_bounds = array<i64: 2, 16>, scalar_prefetch = 0 : i64, scratch_operands = 6 : i64, tpu.core_type = #tpu.core_type<sc_vector_subcore>, window_params = [{transform_indices = #map}, {transform_indices = #map}, {transform_indices = #map}, {transform_indices = #map}, {transform_indices = #map}, {transform_indices = #map}]} {
    %mul3A = arith.constant 2 : i32
    %mul3A_0 = arith.muli %arg1, %mul3A : i32
    %add3A = arith.addi %mul3A_0, %arg0 : i32
    "tpu.region"() ({
      %run_scoped3A = tpu.sem_alloc : memref<!tpu.dma_semaphore, #tpu.memory_space<semaphore_mem>>
      tpu.enqueue_dma source(%arg2 : memref<40000xf32, #tpu.memory_space<hbm>>) target(%arg8 : memref<40000xf32, #tpu.memory_space<vmem>>) target_semaphore(%run_scoped3A : memref<!tpu.dma_semaphore, #tpu.memory_space<semaphore_mem>>)
      tpu.wait_dma2 semaphore(%run_scoped3A : memref<!tpu.dma_semaphore, #tpu.memory_space<semaphore_mem>>) src(%arg2 : memref<40000xf32, #tpu.memory_space<hbm>>) dst(%arg8 : memref<40000xf32, #tpu.memory_space<vmem>>)
      tpu.yield
    }) : () -> ()
    %mul3A_1 = arith.constant 10240 : i32
    %mul3A_2 = arith.muli %add3A, %mul3A_1 : i32
    "tpu.region"() ({
      %run_scoped3A = tpu.sem_alloc : memref<!tpu.dma_semaphore, #tpu.memory_space<semaphore_mem>>
      %dma_start3A = tpu.memref_slice %arg3[%mul3A_2] : memref<327680xi32, #tpu.memory_space<hbm>> -> memref<10240xi32, #tpu.memory_space<hbm>>
      %dma_start3A_16 = tpu.memref_slice %arg3[%mul3A_2] : memref<327680xi32, #tpu.memory_space<hbm>> -> memref<10240xi32, #tpu.memory_space<hbm>>
      tpu.enqueue_dma source(%dma_start3A_16 : memref<10240xi32, #tpu.memory_space<hbm>>) target(%arg9 : memref<10240xi32, #tpu.memory_space<vmem>>) target_semaphore(%run_scoped3A : memref<!tpu.dma_semaphore, #tpu.memory_space<semaphore_mem>>)
      %dma_wait3A = tpu.memref_slice %arg3[%mul3A_2] : memref<327680xi32, #tpu.memory_space<hbm>> -> memref<10240xi32, #tpu.memory_space<hbm>>
      %dma_wait3A_17 = tpu.memref_slice %arg3[%mul3A_2] : memref<327680xi32, #tpu.memory_space<hbm>> -> memref<10240xi32, #tpu.memory_space<hbm>>
      tpu.wait_dma2 semaphore(%run_scoped3A : memref<!tpu.dma_semaphore, #tpu.memory_space<semaphore_mem>>) src(%dma_wait3A_17 : memref<10240xi32, #tpu.memory_space<hbm>>) dst(%arg9 : memref<10240xi32, #tpu.memory_space<vmem>>)
      tpu.yield
    }) : () -> ()
    %mul3A_3 = arith.constant 10240 : i32
    %mul3A_4 = arith.muli %add3A, %mul3A_3 : i32
    "tpu.region"() ({
      %run_scoped3A = tpu.sem_alloc : memref<!tpu.dma_semaphore, #tpu.memory_space<semaphore_mem>>
      %dma_start3A = tpu.memref_slice %arg4[%mul3A_4] : memref<327680xi32, #tpu.memory_space<hbm>> -> memref<10240xi32, #tpu.memory_space<hbm>>
      %dma_start3A_16 = tpu.memref_slice %arg4[%mul3A_4] : memref<327680xi32, #tpu.memory_space<hbm>> -> memref<10240xi32, #tpu.memory_space<hbm>>
      tpu.enqueue_dma source(%dma_start3A_16 : memref<10240xi32, #tpu.memory_space<hbm>>) target(%arg10 : memref<10240xi32, #tpu.memory_space<vmem>>) target_semaphore(%run_scoped3A : memref<!tpu.dma_semaphore, #tpu.memory_space<semaphore_mem>>)
      %dma_wait3A = tpu.memref_slice %arg4[%mul3A_4] : memref<327680xi32, #tpu.memory_space<hbm>> -> memref<10240xi32, #tpu.memory_space<hbm>>
      %dma_wait3A_17 = tpu.memref_slice %arg4[%mul3A_4] : memref<327680xi32, #tpu.memory_space<hbm>> -> memref<10240xi32, #tpu.memory_space<hbm>>
      tpu.wait_dma2 semaphore(%run_scoped3A : memref<!tpu.dma_semaphore, #tpu.memory_space<semaphore_mem>>) src(%dma_wait3A_17 : memref<10240xi32, #tpu.memory_space<hbm>>) dst(%arg10 : memref<10240xi32, #tpu.memory_space<vmem>>)
      tpu.yield
    }) : () -> ()
    %scan3A = arith.constant 0 : i32
    %scan3A_5 = arith.constant 0 : i32
    %scan3A_6 = arith.constant 640 : i32
    %scan3A_7 = arith.addi %scan3A_5, %scan3A_6 : i32
    %scan3A_8 = arith.constant 1 : i32
    scf.for %scan3A_16 = %scan3A_5 to %scan3A_7 step %scan3A_8  : i32 {
      %mul3A_17 = arith.constant 16 : i32
      %mul3A_18 = arith.muli %scan3A_16, %mul3A_17 : i32
      %get3A = arith.index_cast %mul3A_18 : i32 to index
      %get3A_19 = tpu.vector_load %arg9[%get3A] {strides = array<i32>} : memref<10240xi32, #tpu.memory_space<vmem>>, vector<16xi32>,
      %mul3A_20 = arith.constant 4 : i32
      %mul3A_21 = vector.broadcast %mul3A_20 : i32 to vector<16xi32>
      %mul3A_22 = arith.muli %get3A_19, %mul3A_21 : vector<16xi32>
      %get3A_23 = arith.index_cast %mul3A_18 : i32 to index
      %get3A_24 = tpu.vector_load %arg10[%get3A_23] {strides = array<i32>} : memref<10240xi32, #tpu.memory_space<vmem>>, vector<16xi32>,
      %mul3A_25 = arith.constant 4 : i32
      %mul3A_26 = vector.broadcast %mul3A_25 : i32 to vector<16xi32>
      %mul3A_27 = arith.muli %get3A_24, %mul3A_26 : vector<16xi32>
      %add3A_28 = arith.constant 0 : i32
      %add3A_29 = vector.broadcast %add3A_28 : i32 to vector<16xi32>
      %add3A_30 = arith.addi %mul3A_22, %add3A_29 : vector<16xi32>
      %gather3A = tpu.vector_load_idx %arg8[%add3A_30] : memref<40000xf32, #tpu.memory_space<vmem>>[vector<16xi32>], vector<16xf32>,
      %add3A_31 = arith.constant 0 : i32
      %add3A_32 = vector.broadcast %add3A_31 : i32 to vector<16xi32>
      %add3A_33 = arith.addi %mul3A_27, %add3A_32 : vector<16xi32>
      %gather3A_34 = tpu.vector_load_idx %arg8[%add3A_33] : memref<40000xf32, #tpu.memory_space<vmem>>[vector<16xi32>], vector<16xf32>,
      %sub3A = arith.subf %gather3A, %gather3A_34 : vector<16xf32>
      %abs3A = math.absf %sub3A : vector<16xf32>
      %swap3A = arith.index_cast %mul3A_18 : i32 to index
      %swap3A_35 = tpu.vector_load %arg11[%swap3A] {strides = array<i32>} : memref<10240xf32, #tpu.memory_space<vmem>>, vector<16xf32>,
      tpu.vector_store %arg11[%swap3A], %abs3A {strides = array<i32>} : memref<10240xf32, #tpu.memory_space<vmem>>, vector<16xf32>,
      %add3A_36 = arith.constant 1 : i32
      %add3A_37 = vector.broadcast %add3A_36 : i32 to vector<16xi32>
      %add3A_38 = arith.addi %mul3A_22, %add3A_37 : vector<16xi32>
      %gather3A_39 = tpu.vector_load_idx %arg8[%add3A_38] : memref<40000xf32, #tpu.memory_space<vmem>>[vector<16xi32>], vector<16xf32>,
      %add3A_40 = arith.constant 1 : i32
      %add3A_41 = vector.broadcast %add3A_40 : i32 to vector<16xi32>
      %add3A_42 = arith.addi %mul3A_27, %add3A_41 : vector<16xi32>
      %gather3A_43 = tpu.vector_load_idx %arg8[%add3A_42] : memref<40000xf32, #tpu.memory_space<vmem>>[vector<16xi32>], vector<16xf32>,
      %sub3A_44 = arith.subf %gather3A_39, %gather3A_43 : vector<16xf32>
      %abs3A_45 = math.absf %sub3A_44 : vector<16xf32>
      %swap3A_46 = arith.index_cast %mul3A_18 : i32 to index
      %swap3A_47 = tpu.vector_load %arg12[%swap3A_46] {strides = array<i32>} : memref<10240xf32, #tpu.memory_space<vmem>>, vector<16xf32>,
      tpu.vector_store %arg12[%swap3A_46], %abs3A_45 {strides = array<i32>} : memref<10240xf32, #tpu.memory_space<vmem>>, vector<16xf32>,
      %add3A_48 = arith.constant 2 : i32
      %add3A_49 = vector.broadcast %add3A_48 : i32 to vector<16xi32>
      %add3A_50 = arith.addi %mul3A_22, %add3A_49 : vector<16xi32>
      %gather3A_51 = tpu.vector_load_idx %arg8[%add3A_50] : memref<40000xf32, #tpu.memory_space<vmem>>[vector<16xi32>], vector<16xf32>,
      %add3A_52 = arith.constant 2 : i32
      %add3A_53 = vector.broadcast %add3A_52 : i32 to vector<16xi32>
      %add3A_54 = arith.addi %mul3A_27, %add3A_53 : vector<16xi32>
      %gather3A_55 = tpu.vector_load_idx %arg8[%add3A_54] : memref<40000xf32, #tpu.memory_space<vmem>>[vector<16xi32>], vector<16xf32>,
      %sub3A_56 = arith.subf %gather3A_51, %gather3A_55 : vector<16xf32>
      %abs3A_57 = math.absf %sub3A_56 : vector<16xf32>
      %swap3A_58 = arith.index_cast %mul3A_18 : i32 to index
      %swap3A_59 = tpu.vector_load %arg13[%swap3A_58] {strides = array<i32>} : memref<10240xf32, #tpu.memory_space<vmem>>, vector<16xf32>,
      tpu.vector_store %arg13[%swap3A_58], %abs3A_57 {strides = array<i32>} : memref<10240xf32, #tpu.memory_space<vmem>>, vector<16xf32>,
    }
    %scan3A_9 = arith.constant 640 : i32
    %mul3A_10 = arith.constant 10240 : i32
    %mul3A_11 = arith.muli %add3A, %mul3A_10 : i32
    "tpu.region"() ({
      %run_scoped3A = tpu.sem_alloc : memref<!tpu.dma_semaphore, #tpu.memory_space<semaphore_mem>>
      %dma_start3A = tpu.memref_slice %arg5[%mul3A_11] : memref<327680xf32, #tpu.memory_space<hbm>> -> memref<10240xf32, #tpu.memory_space<hbm>>
      %dma_start3A_16 = tpu.memref_slice %arg5[%mul3A_11] : memref<327680xf32, #tpu.memory_space<hbm>> -> memref<10240xf32, #tpu.memory_space<hbm>>
      tpu.enqueue_dma source(%arg11 : memref<10240xf32, #tpu.memory_space<vmem>>) target(%dma_start3A_16 : memref<10240xf32, #tpu.memory_space<hbm>>) target_semaphore(%run_scoped3A : memref<!tpu.dma_semaphore, #tpu.memory_space<semaphore_mem>>)
      %dma_wait3A = tpu.memref_slice %arg5[%mul3A_11] : memref<327680xf32, #tpu.memory_space<hbm>> -> memref<10240xf32, #tpu.memory_space<hbm>>
      %dma_wait3A_17 = tpu.memref_slice %arg5[%mul3A_11] : memref<327680xf32, #tpu.memory_space<hbm>> -> memref<10240xf32, #tpu.memory_space<hbm>>
      tpu.wait_dma2 semaphore(%run_scoped3A : memref<!tpu.dma_semaphore, #tpu.memory_space<semaphore_mem>>) src(%arg11 : memref<10240xf32, #tpu.memory_space<vmem>>) dst(%dma_wait3A_17 : memref<10240xf32, #tpu.memory_space<hbm>>)
      tpu.yield
    }) : () -> ()
    %mul3A_12 = arith.constant 10240 : i32
    %mul3A_13 = arith.muli %add3A, %mul3A_12 : i32
    "tpu.region"() ({
      %run_scoped3A = tpu.sem_alloc : memref<!tpu.dma_semaphore, #tpu.memory_space<semaphore_mem>>
      %dma_start3A = tpu.memref_slice %arg6[%mul3A_13] : memref<327680xf32, #tpu.memory_space<hbm>> -> memref<10240xf32, #tpu.memory_space<hbm>>
      %dma_start3A_16 = tpu.memref_slice %arg6[%mul3A_13] : memref<327680xf32, #tpu.memory_space<hbm>> -> memref<10240xf32, #tpu.memory_space<hbm>>
      tpu.enqueue_dma source(%arg12 : memref<10240xf32, #tpu.memory_space<vmem>>) target(%dma_start3A_16 : memref<10240xf32, #tpu.memory_space<hbm>>) target_semaphore(%run_scoped3A : memref<!tpu.dma_semaphore, #tpu.memory_space<semaphore_mem>>)
      %dma_wait3A = tpu.memref_slice %arg6[%mul3A_13] : memref<327680xf32, #tpu.memory_space<hbm>> -> memref<10240xf32, #tpu.memory_space<hbm>>
      %dma_wait3A_17 = tpu.memref_slice %arg6[%mul3A_13] : memref<327680xf32, #tpu.memory_space<hbm>> -> memref<10240xf32, #tpu.memory_space<hbm>>
      tpu.wait_dma2 semaphore(%run_scoped3A : memref<!tpu.dma_semaphore, #tpu.memory_space<semaphore_mem>>) src(%arg12 : memref<10240xf32, #tpu.memory_space<vmem>>) dst(%dma_wait3A_17 : memref<10240xf32, #tpu.memory_space<hbm>>)
      tpu.yield
    }) : () -> ()
    %mul3A_14 = arith.constant 10240 : i32
    %mul3A_15 = arith.muli %add3A, %mul3A_14 : i32
    "tpu.region"() ({
      %run_scoped3A = tpu.sem_alloc : memref<!tpu.dma_semaphore, #tpu.memory_space<semaphore_mem>>
      %dma_start3A = tpu.memref_slice %arg7[%mul3A_15] : memref<327680xf32, #tpu.memory_space<hbm>> -> memref<10240xf32, #tpu.memory_space<hbm>>
      %dma_start3A_16 = tpu.memref_slice %arg7[%mul3A_15] : memref<327680xf32, #tpu.memory_space<hbm>> -> memref<10240xf32, #tpu.memory_space<hbm>>
      tpu.enqueue_dma source(%arg13 : memref<10240xf32, #tpu.memory_space<vmem>>) target(%dma_start3A_16 : memref<10240xf32, #tpu.memory_space<hbm>>) target_semaphore(%run_scoped3A : memref<!tpu.dma_semaphore, #tpu.memory_space<semaphore_mem>>)
      %dma_wait3A = tpu.memref_slice %arg7[%mul3A_15] : memref<327680xf32, #tpu.memory_space<hbm>> -> memref<10240xf32, #tpu.memory_space<hbm>>
      %dma_wait3A_17 = tpu.memref_slice %arg7[%mul3A_15] : memref<327680xf32, #tpu.memory_space<hbm>> -> memref<10240xf32, #tpu.memory_space<hbm>>
      tpu.wait_dma2 semaphore(%run_scoped3A : memref<!tpu.dma_semaphore, #tpu.memory_space<semaphore_mem>>) src(%arg13 : memref<10240xf32, #tpu.memory_space<vmem>>) dst(%dma_wait3A_17 : memref<10240xf32, #tpu.memory_space<hbm>>)
      tpu.yield
    }) : () -> ()
    return
  }
}

</mosaic_0001>

<sc_bundles>
// kernel: _sc_dis.3.cloned.1.call-start
scs
__scs_entry_jumppad:
0x0: {  	(pc) =	sbr.rel $0x88, $3  }
0x1: {  	(tag) =	ssettag $0x0;
	lr =	simm.s32 $0x1  }
0x2: {  	[smem:$0x3F9E] =	sst lr;
	_ =	strace $0xD0000000  }
0x3: {  	_ = 	snop  }
0x4: {  	_ = 	snop  }
0x5: {  	_ = 	snop  }
0x6: {  	_ = 	snop  }
0x7: {  	_ = 	snop  }
__scs_overlays_trampoline_lowered:
0x8: {  	[smem:$0x3FAD] =	sst s0  }
0x9: {  	[smem:$0x3FAE] =	sst s1  }
0xa: {  	[smem:$0x3FAF] =	sst s2  }
0xb: {  	[smem:$0x3FB0] =	sst s3  }
0xc: {  	[smem:$0x3FB1] =	sst s4  }
0xd: {  	[smem:$0x3FB2] =	sst s5  }
0xe: {  	[smem:$0x3FB3] =	sst s6  }
0xf: {  	[smem:$0x3FB4] =	sst s7  }
0x10: {  	[smem:$0x3FB5] =	sst s8  }
0x11: {  	[smem:$0x3FB6] =	sst s9;
	s0 =	simm.s32 @!p0 $0x0  }
0x12: {  	s1 =	sld [smem:$0x3F9C];
	s0 =	simm.s32 @p0 $0x1  }
0x13: {  	[smem:$0x3FB7] =	sst s0;
	s0 =	simm.s32 @!p1 $0x0  }
0x14: {  	s2 =	sld [smem:$0x3F9B];
	s0 =	simm.s32 @p1 $0x1  }
0x15: {  	[smem:$0x3FB8] =	sst s0;
	s0 =	simm.s32 @!p2 $0x0  }
0x16: {  	s3 =	sld [smem:$0x3FDB];
	s0 =	simm.s32 @p2 $0x1  }
0x17: {  	s4 =	simm.s32 $0x1BF5;
	[smem:$0x3FBA] =	sst s0  }
0x18: {  	s0 =	sld [smem:$0x3F9D];
	_ =	swait.ge [sflag:s4], $0x0  }
0x19: {  	s7 =	sld [smem:$0x3F9E]  }
0x1a: {  	s8 =	sadd.s32 $0xFFFFE003, lr  }
0x1b: {  	s9 =	sadd.s32 $0xFFFFFEF7, lr;
	s5 =	simm.s32 $0xFFFFFFFF;
	p2 =	slt.u32 s8, $0xFFFFF086  }
0x1c: {  	p1 =	slt.u32 s9, $0xF7A;
	s5 =	simm.s32 @!p2 $0x0  }
0x1d: {  	s5 =	simm.s32 @p1 $0x1;
	p0 =	seq.s32 s7, s2  }
0x1e: {  	s7 =	smul.u32 @!p0 $0xF7A, s2;
	p2 =	seq.s32 @!p0 s5, $0x0  }
0x1f: {  	s9 =	smul.u32 $0xF7A, s1;
	s8 =	simm.s32 @!p0 $0x1BF5;
	p2 =	por !p2, p0  }
0x20: {  	[sflag:s8] =	ssyncset.s32 @!p0 $0xFFFFF086;
	s6 =	sadd.s32 @!p0 s3, s7;
	s7 =	simm.s32 @!p0 $0x108  }
0x21: {  	s3 =	sadd.s32 s3, s9;
	s6 =	sadd.s32 @!p0 $0x88, s6;
	s7 =	simm.s32 @p2 $0x1082  }
0x22: {  	[simem:s7], [sflag:s8] =	dma.local @!p0 [hbm:s6], $0xF7A  }
0x23: {  	s9 =	sor.u32 $0xD0000000, s2;
	s6 =	simm.s32 $0x108;
	_ =	swait.ge @!p0 [sflag:s8], $0x0  }
0x24: {  	s3 =	sadd.s32 $0x88, s3;
	s6 =	simm.s32 @!p1 $0x1082;
	[sflag:s4] =	ssyncset.s32 $0xFFFFF086  }
0x25: {  	[simem:s6], [sflag:s4] =	dma.local [hbm:s3], $0xF7A  }
0x26: {  	[smem:$0x3F9E] =	sst s1;
	(tag) =	ssettag s2;
	_ =	strace s9  }
0x27: {  	s1 =	sld [smem:$0x3FAE]  }
0x28: {  	s2 =	sld [smem:$0x3FAF]  }
0x29: {  	s4 =	sld [smem:$0x3FB1]  }
0x2a: {  	p0 =	seq.s32 s5, $0x0;
	s5 =	sld [smem:$0x3FB2]  }
0x2b: {  	s6 =	sld [smem:$0x3FB3]  }
0x2c: {  	s7 =	sld [smem:$0x3FB4]  }
0x2d: {  	s3 =	simm.s32 $0x108;
	s8 =	sld [smem:$0x3FB5]  }
0x2e: {  	s3 =	simm.s32 @!p0 $0x1082;
	s9 =	sld [smem:$0x3FB6]  }
0x2f: {  	lr =	sadd.s32 s0, s3;
	s0 =	sld [smem:$0x3FAD]  }
0x30: {  	s3 =	sld [smem:$0x3FB0]  }
0x31: {  	[smem:$0x3FB9] =	sst s10  }
0x32: {  	s10 =	sld [smem:$0x3FB7];
	_ =	sdelay $0x3  }
0x33: {  	p0 =	seq.s32 s10, $0x1;
	s10 =	sld [smem:$0x3FB9];
	_ =	sdelay $0x3  }
0x34: {  	[smem:$0x3FB9] =	sst s10  }
0x35: {  	s10 =	sld [smem:$0x3FB8];
	_ =	sdelay $0x3  }
0x36: {  	p1 =	seq.s32 s10, $0x1;
	s10 =	sld [smem:$0x3FB9];
	_ =	sdelay $0x3  }
0x37: {  	[smem:$0x3FB9] =	sst s10  }
0x38: {  	s10 =	sld [smem:$0x3FBA]  }
0x39: {  	_ = 	snop;
	(pc) =	sbr.ind lr, $3  }
0x3a: {  	_ = 	snop  }
0x3b: {  	_ = 	snop  }
0x3c: {  	p2 =	seq.s32 s10, $0x1;
	s10 =	sld [smem:$0x3FB9]  }
0x3d: {  	_ =	shalt  }
0x3e: {  	_ =	shalt  }
0x3f: {  	_ =	shalt  }
0x40: {  	_ =	shalt  }
0x41: {  	_ =	shalt  }
0x42: {  	_ =	shalt  }
0x43: {  	_ =	shalt  }
0x44: {  	_ =	shalt  }
0x45: {  	_ =	shalt  }
0x46: {  	_ =	shalt  }
0x47: {  	_ =	shalt  }
0x48: {  	_ =	shalt  }
0x49: {  	_ =	shalt  }
0x4a: {  	_ =	shalt  }
0x4b: {  	_ =	shalt  }
0x4c: {  	_ =	shalt  }
0x4d: {  	_ =	shalt  }
0x4e: {  	_ =	shalt  }
0x4f: {  	_ =	shalt  }
0x50: {  	_ =	shalt  }
0x51: {  	_ =	shalt  }
0x52: {  	_ =	shalt  }
0x53: {  	_ =	shalt  }
0x54: {  	_ =	shalt  }
0x55: {  	_ =	shalt  }
0x56: {  	_ =	shalt  }
0x57: {  	_ =	shalt  }
0x58: {  	_ =	shalt  }
0x59: {  	_ =	shalt  }
0x5a: {  	_ =	shalt  }
0x5b: {  	_ =	shalt  }
0x5c: {  	_ =	shalt  }
0x5d: {  	_ =	shalt  }
0x5e: {  	_ =	shalt  }
0x5f: {  	_ =	shalt  }
0x60: {  	_ =	shalt  }
0x61: {  	_ =	shalt  }
0x62: {  	_ =	shalt  }
0x63: {  	_ =	shalt  }
0x64: {  	_ =	shalt  }
0x65: {  	_ =	shalt  }
0x66: {  	_ =	shalt  }
0x67: {  	_ =	shalt  }
0x68: {  	_ =	shalt  }
0x69: {  	_ =	shalt  }
0x6a: {  	_ =	shalt  }
0x6b: {  	_ =	shalt  }
0x6c: {  	_ =	shalt  }
0x6d: {  	_ =	shalt  }
0x6e: {  	_ =	shalt  }
0x6f: {  	_ =	shalt  }
0x70: {  	_ =	shalt  }
0x71: {  	_ =	shalt  }
0x72: {  	_ =	shalt  }
0x73: {  	_ =	shalt  }
0x74: {  	_ =	shalt  }
0x75: {  	_ =	shalt  }
0x76: {  	_ =	shalt  }
0x77: {  	_ =	shalt  }
0x78: {  	_ =	shalt  }
0x79: {  	_ =	shalt  }
0x7a: {  	_ =	shalt  }
0x7b: {  	_ =	shalt  }
0x7c: {  	_ =	shalt  }
0x7d: {  	_ =	shalt  }
0x7e: {  	_ =	shalt  }
0x7f: {  	_ =	shalt  }
0x80: {  	_ =	shalt  }
0x81: {  	_ =	shalt  }
0x82: {  	_ =	shalt  }
0x83: {  	_ =	shalt  }
0x84: {  	_ =	shalt  }
0x85: {  	_ =	shalt  }
0x86: {  	_ =	shalt  }
0x87: {  	_ =	shalt  }
.Lfunc_end0:
.L_simem_size_0:
called_computation_lowered:
.L_overlay_start_0:
0x88: {  	s2 =	sld [smem:$0x3FD9]  }
0x89: {  	s3 =	sld [smem:$0x3FFE];
	_ =	sdelay $0x1  }
0x8a: {  	s1 =	srdreg.scid  }
0x8b: {  	s0 =	sand.u32 $0x1, s1  }
0x8c: {  	s15 =	sshll.u32 s0, $0xA;
	s2 =	sadd.s32 s3, s2  }
0x8d: {  	s2 =	sadd.s32 s2, s15  }
0x8e: {  	[smem:$0x3FC5] =	sst s2  }
0x8f: {  	_ = 	snop  }
0x90: {  	s2 =	sld [smem:$0x3FD0]  }
0x91: {  	s16 =	sld [smem:$0x3FC9]  }
0x92: {  	s4 =	sld [smem:$0x3FC8]  }
0x93: {  	s6 =	simm.s32 $0xA;
	s7 =	simm.s32 $0x10;
	s5 =	sld [smem:$0x3FC7]  }
0x94: {  	[smem:s7], [sflag:s6] =	dma.local [hbm:s2], $0x1  }
0x95: {  	_ =	swait.eq [sflag:s6], $0x1  }
0x96: {  	s17 =	sld [smem:$0x10];
	[sflag:s6] =	ssyncset.done $0x0  }
0x97: {  	s18 =	sld [smem:$0x11];
	[sflag:s6] =	ssyncadd.s32 $0xFFFFFFFF  }
0x98: {  	s19 =	sld [smem:$0x12];
	(tm) =	ssettm $0x1  }
0x99: {  	s8 =	sld [smem:$0x3FFB];
	_ =	sdelay $0x3  }
0x9a: {  	_ =	strace s8  }
0x9b: {  	s8 =	sld [smem:$0x3FFC];
	_ =	sdelay $0x3  }
0x9c: {  	_ =	strace s8  }
0x9d: {  	s8 =	sld [smem:$0x3FFD];
	_ =	sdelay $0x3  }
0x9e: {  	_ =	strace s8  }
0x9f: {  	_ =	strace $0x8FFFFFFF  }
0xa0: {  	s20 =	sld [smem:$0x3FDB];
	_ =	sdelay $0x1  }
0xa1: {  	s9 =	simm.s32 $_scs_section_size  }
0xa2: {  	s10 =	simm.s32 $_size__tile_overlayer_lowered;
	s11 =	simm.s32 $_tile_overlayer_lowered  }
0xa3: {  	s23 =	simm.s32 $0x1BFF;
	s22 =	sshll.u32 s11, $0x1;
	s8 =	sadd.s32 s9, s20  }
0xa4: {  	s12 =	simm.s32 $0x0;
	s21 =	sshll.u32 s10, $0x1;
	s10 =	sadd.s32 s22, s8  }
0xa5: {  	[timem:s12], [sflag:s23] =	dma.local [hbm:s10], s21  }
0xa6: {  	_ =	swait.ge [sflag:s23], s21  }
0xa7: {  	s9 =	ssub.s32 $0x0, s21;
	[sflag:s23] =	ssyncset.done $0x0  }
0xa8: {  	[sflag:s23] =	ssyncadd.s32 s9;
	_ =	sdelay $0x1  }
0xa9: {  	s24 =	simm.s32 $0x1B8B  }
0xaa: {  	_ =	swait.ge [sflag:s24], $0x1  }
0xab: {  	[sflag:s24] =	ssyncset.done $0x0  }
0xac: {  	s25 =	simm.s32 $0x1B8E;
	[sflag:s24] =	ssyncadd.s32 $0xFFFFFFFF  }
0xad: {  	s26 =	simm.s32 $execute0_lowered;
	[smem:$0x3FD2] =	sst s25  }
0xae: {  	s9 =	sshll.u32 s26, $0x1;
	_ =	strace $0x80000046;
	[dreg:$0x1] =	wrdreg $0xFFFFFFFF  }
0xaf: {  	s28 =	simm.s32 $_size_execute0_lowered;
	s8 =	sadd.s32 s8, s9;
	[dreg:$0x0] =	wrdreg $0x0  }
0xb0: {  	s9 =	sshll.u32 s28, $0x1;
	[dreg:$0x2] =	wrdreg s8  }
0xb1: {  	[dreg:$0x3] =	wrdreg s9  }
0xb2: {  	[dreg:$0x4] =	wrdreg $0xC0  }
0xb3: {  	_ =	task [dreg:s12], $0x5FFFF  }
0xb4: {  	[dreg:$0x1] =	wrdreg $0xFFFFFFFF  }
0xb5: {  	[dreg:$0x0] =	wrdreg $0x60  }
0xb6: {  	[dreg:$0x2] =	wrdreg s16  }
0xb7: {  	[dreg:$0x3] =	wrdreg s4  }
0xb8: {  	[dreg:$0x4] =	wrdreg s5  }
0xb9: {  	[dreg:$0x5] =	wrdreg s17  }
0xba: {  	[dreg:$0x6] =	wrdreg s18  }
0xbb: {  	[dreg:$0x7] =	wrdreg s19  }
0xbc: {  	[dreg:$0x8] =	wrdreg $0x9  }
0xbd: {  	_ =	task.clear_ibuf [dreg:s12], $0x9FFFF;
	_ =	strace $0x90000046  }
0xbe: {  	s29 =	simm.s32 $0x9;
	_ =	strace $0x80000048  }
0xbf: {  	_ =	swait.ge [sflag:s29], $0x1  }
0xc0: {  	[sflag:s29] =	ssyncadd.s32 $0xFFFFFFFF  }
0xc1: {  	_ =	strace $0x90000048  }
0xc2: {  	_ =	sfence  }
0xc3: {  	s30 =	sld [smem:$0x0];
	_ =	sdelay $0x2  }
0xc4: {  	s31 =	sshll.u32 s1, $0xD;
	s1 =	sshrl.u32 s1, $0x2  }
0xc5: {  	s3 =	sand.u32 $0x4000, s31;
	s1 =	sadd.s32 s1, s30  }
0xc6: {  	s0 =	sor.u32 s3, s0;
	s1 =	sshll.u32 s1, $0x11  }
0xc7: {  	s0 =	sor.u32 s1, s0  }
0xc8: {  	s0 =	sadd.s32 $0x8F2B, s0  }
0xc9: {  	[sflag:s0] =	ssyncadd.remote.s32 $0x1  }
0xca: {  	_ =	sfence.sel $0xFFFF  }
0xcb: {  	[dreg:$0x0] =	wrdreg $0xFFFFFFFF;
	(pc) =	sbr.abs _section_cstart, $3  }
0xcc: {  	[dreg:$0x1] =	wrdreg $0xFFFFFFFF  }
0xcd: {  	_ =	task.clear_ibuf [dreg:s12], $0x2FFFF;
	_ =	strace $0x9FFFFFFF  }
0xce: {  	(tm) =	ssettm $0x7FFFFFFF  }
0xcf: {  	_ =	shalt  }
tec
execute0_lowered:
.L_overlay_start_1:
0x0: {  	(tag) =	ssettag $0x1  }
0x1: {  	s0 =	rddreg [dreg:$0x0]  }
0x2: {  	s4 =	rddreg [dreg:$0x1]  }
0x3: {  	s5 =	rddreg [dreg:$0x2]  }
0x4: {  	s6 =	rddreg [dreg:$0x3]  }
0x5: {  	s7 =	rddreg [dreg:$0x4];
	s2 =	srdreg.scid  }
0x6: {  	s1 =	stileid.u32;
	s8 =	rddreg [dreg:$0x5]  }
0x7: {  	s12 =	simm.s32 $0xC480;
	s13 =	simm.s32 $0xEC80;
	s14 =	simm.s32 $0x11480  }
0x8: {  	s15 =	simm.s32 $0x13C80;
	s9 =	sand.u32 $0x1, s2;
	s3 =	sshll.u32 s1, $0x1  }
0x9: {  	s16 =	simm.s32 $0x0;
	s10 =	sor.u32 s9, s3;
	s3 =	simm.s32 $0x0  }
0xa: {  	s9 =	ssub.s32 $0x2, s9;
	s10 =	smul.u32 $0x500, s10;
	[smem:$0x7FF] =	sst s3  }
0xb: {  	s2 =	rddreg [dreg:$0x6];
	s11 =	sshrl.u32 s9, $0x1;
	_ =	strace $0x80000047  }
0xc: {  	s9 =	ssub.s32 s9, s11;
	s11 =	simm.s32 $0x9C80;
	s4 =	sadd.s32 s4, s10  }
0xd: {  	s5 =	sadd.s32 s5, s10;
	s6 =	sadd.s32 s6, s10;
	s7 =	sadd.s32 s7, s10  }
0xe: {  	s8 =	sadd.s32 s8, s10;
	s9 =	smax.u32 s9, $0x1;
	s10 =	simm.s32 $0x1  }
.LBB2_1:
0xf: {  	[tilespmem:s3], [sflag:$0x1] =	stream.linear.gather [hbm4b:s0+s3], $0x9C80, $0x38;
	[tilespmem:$0x16480] =	vst v63  }
0x10: {  	_ =	swait.ge [sflag:s10], $0x9C80  }
0x11: {  	[sflag:s10] =	ssyncset.done $0x0  }
0x12: {  	[sflag:s10] =	ssyncadd.s32 $0xFFFF6380  }
0x13: {  	[tilespmem:s11], [sflag:$0x1] =	stream.linear.gather [hbm4b:s4+s3], $0x2800, $0x38;
	[tilespmem:$0x16480] =	vst v63  }
0x14: {  	_ =	swait.ge [sflag:s10], $0x2800  }
0x15: {  	[sflag:s10] =	ssyncset.done $0x0  }
0x16: {  	[sflag:s10] =	ssyncadd.s32 $0xFFFFD800  }
0x17: {  	[tilespmem:s12], [sflag:$0x1] =	stream.linear.gather [hbm4b:s5+s3], $0x2800, $0x38;
	[tilespmem:$0x16480] =	vst v63  }
0x18: {  	_ =	swait.ge [sflag:s10], $0x2800  }
0x19: {  	[sflag:s10] =	ssyncset.done $0x0  }
0x1a: {  	s17 =	simm.s32 $0x0;
	[sflag:s10] =	ssyncadd.s32 $0xFFFFD800  }
0x1b: {  	v0 =	vld [tilespmem:s17+$0xC480]  }
0x1c: {  	v1 =	vld [tilespmem:s17+$0x9C80];
	_ =	sdelay $0x3  }
0x1d: {  	v0 =	vshll.u32 v0, $0x2  }
0x1e: {  	v1 =	vshll.u32 v1, $0x2;
	_ =	sdelay $0x3  }
0x1f: {  	v2 =	vld.idx.msk [tilespmem:v0+s3+$0x0], $0xffff  }
0x20: {  	v3 =	vld.idx.msk [tilespmem:v1+s3+$0x0], $0xffff;
	_ =	sdelay $0x3  }
0x21: {  	v4 =	vor.u32 $0x1, v1  }
0x22: {  	v5 =	vor.u32 $0x1, v0;
	v2 =	vsub.f32 v3, v2;
	_ =	sdelay $0x1  }
0x23: {  	v2 =	vand.u32 $0x7FFFFFFF, v2  }
0x24: {  	[tilespmem:s17+$0xEC80] =	vst v2  }
0x25: {  	v2 =	vld.idx.msk [tilespmem:v4+s3+$0x0], $0xffff  }
0x26: {  	v3 =	vld.idx.msk [tilespmem:v5+s3+$0x0], $0xffff;
	_ =	sdelay $0x3  }
0x27: {  	v0 =	vor.u32 $0x2, v0  }
0x28: {  	v4 =	vor.u32 $0x2, v1;
	v1 =	vsub.f32 v2, v3;
	_ =	sdelay $0x1  }
0x29: {  	s19 =	simm.s32 $0x10;
	v2 =	vand.u32 $0x7FFFFFFF, v1  }
0x2a: {  	v1 =	vld [tilespmem:s19+$0xC480];
	[tilespmem:s17+$0x11480] =	vst v2  }
0x2b: {  	v0 =	vld.idx.msk [tilespmem:v0+s3+$0x0], $0xffff  }
0x2c: {  	v2 =	vld.idx.msk [tilespmem:v4+s3+$0x0], $0xffff  }
0x2d: {  	s18 =	simm.s32 $0x80;
	v3 =	vld [tilespmem:s19+$0x9C80]  }
.LBB2_2:
0x2e: {  	_ =	sdelay $0x1  }
0x2f: {  	p0 =	sne.s32 s18, $0x9FC0;
	s20 =	smov.u32 s18;
	s18 =	sadd.s32 $0x40, s18;
	v1 =	vshll.u32 v1, $0x2  }
0x30: {  	_ = 	snop  }
0x31: {  	v0 =	vsub.f32 v2, v0;
	v3 =	vshll.u32 v3, $0x2;
	_ =	sdelay $0x1  }
0x32: {  	v0 =	vand.u32 $0x7FFFFFFF, v0  }
0x33: {  	[tilespmem:s17+$0x13C80] =	vst v0;
	s17 =	smov.u32 s19  }
0x34: {  	v0 =	vld.idx.msk [tilespmem:v1+s3+$0x0], $0xffff  }
0x35: {  	v2 =	vld.idx.msk [tilespmem:v3+s3+$0x0], $0xffff;
	_ =	sdelay $0x4  }
0x36: {  	v5 =	vor.u32 $0x1, v1;
	v4 =	vor.u32 $0x1, v3  }
0x37: {  	v0 =	vsub.f32 v2, v0;
	_ =	sdelay $0x1  }
0x38: {  	v0 =	vand.u32 $0x7FFFFFFF, v0  }
0x39: {  	[tilespmem:s17+$0xEC80] =	vst v0  }
0x3a: {  	v0 =	vld.idx.msk [tilespmem:v4+s3+$0x0], $0xffff  }
0x3b: {  	v2 =	vld.idx.msk [tilespmem:v5+s3+$0x0], $0xffff;
	_ =	sdelay $0x3  }
0x3c: {  	v4 =	vor.u32 $0x2, v1  }
0x3d: {  	v3 =	vor.u32 $0x2, v3  }
0x3e: {  	v0 =	vsub.f32 v0, v2;
	_ =	sdelay $0x1  }
.Ltmp0:
0x3f: {  	s19 =	sshra.s32 s20, $0x2;
	v0 =	vand.u32 $0x7FFFFFFF, v0;
	(pc) =	sbr.rel @p0 .LBB2_2-.Ltmp0, $4  }
0x40: {  	v1 =	vld [tilespmem:s19+$0xC480];
	[tilespmem:s17+$0x11480] =	vst v0  }
0x41: {  	v0 =	vld.idx.msk [tilespmem:v4+s3+$0x0], $0xffff  }
0x42: {  	v2 =	vld.idx.msk [tilespmem:v3+s3+$0x0], $0xffff  }
0x43: {  	v3 =	vld [tilespmem:s19+$0x9C80]  }
0x44: {  	_ =	sdelay $0x2  }
0x45: {  	v1 =	vshll.u32 v1, $0x2  }
0x46: {  	v0 =	vsub.f32 v2, v0;
	v3 =	vshll.u32 v3, $0x2;
	_ =	sdelay $0x1  }
0x47: {  	v0 =	vand.u32 $0x7FFFFFFF, v0  }
0x48: {  	[tilespmem:s17+$0x13C80] =	vst v0  }
0x49: {  	v0 =	vld.idx.msk [tilespmem:v1+s3+$0x0], $0xffff  }
0x4a: {  	v61 =	vld.idx.msk [tilespmem:v3+s3+$0x0], $0xffff;
	_ =	sdelay $0x3  }
0x4b: {  	v4 =	vor.u32 $0x1, v3  }
0x4c: {  	v5 =	vor.u32 $0x1, v1;
	v0 =	vsub.f32 v61, v0;
	_ =	sdelay $0x1  }
0x4d: {  	v0 =	vand.u32 $0x7FFFFFFF, v0  }
0x4e: {  	[tilespmem:s19+$0xEC80] =	vst v0  }
0x4f: {  	v0 =	vld.idx.msk [tilespmem:v4+s3+$0x0], $0xffff  }
0x50: {  	v62 =	vld.idx.msk [tilespmem:v5+s3+$0x0], $0xffff;
	_ =	sdelay $0x3  }
0x51: {  	v1 =	vor.u32 $0x2, v1  }
0x52: {  	v3 =	vor.u32 $0x2, v3;
	v0 =	vsub.f32 v0, v62;
	_ =	sdelay $0x1  }
0x53: {  	v0 =	vand.u32 $0x7FFFFFFF, v0  }
0x54: {  	[tilespmem:s19+$0x11480] =	vst v0  }
0x55: {  	v0 =	vld.idx.msk [tilespmem:v1+s3+$0x0], $0xffff  }
0x56: {  	v63 =	vld.idx.msk [tilespmem:v3+s3+$0x0], $0xffff;
	_ =	sdelay $0x4  }
0x57: {  	v0 =	vsub.f32 v63, v0;
	_ =	sdelay $0x1  }
0x58: {  	v0 =	vand.u32 $0x7FFFFFFF, v0  }
0x59: {  	[tilespmem:s19+$0x13C80] =	vst v0  }
0x5a: {  	[hbm4b:s6+s3] =	stream.linear.scatter [tilespmem:s13], [sflag:$0x1], $0x2800, $0x38;
	[tilespmem:$0x16480] =	vst v63  }
0x5b: {  	_ =	swait.ge [sflag:s10], $0x2800  }
0x5c: {  	[sflag:s10] =	ssyncset.done $0x0  }
0x5d: {  	[sflag:s10] =	ssyncadd.s32 $0xFFFFD800  }
0x5e: {  	[hbm4b:s7+s3] =	stream.linear.scatter [tilespmem:s14], [sflag:$0x1], $0x2800, $0x38;
	[tilespmem:$0x16480] =	vst v63  }
0x5f: {  	s16 =	sadd.s32 $0x1, s16;
	_ =	swait.ge [sflag:s10], $0x2800  }
0x60: {  	p0 =	sne.s32 s16, s9;
	[sflag:s10] =	ssyncset.done $0x0  }
.Ltmp1:
0x61: {  	[sflag:s10] =	ssyncadd.s32 $0xFFFFD800;
	(pc) =	sbr.rel @p0 .LBB2_1-.Ltmp1, $4  }
0x62: {  	[hbm4b:s8+s3] =	stream.linear.scatter [tilespmem:s15], [sflag:$0x1], $0x2800, $0x38;
	[tilespmem:$0x16480] =	vst v63  }
0x63: {  	_ =	swait.ge [sflag:s10], $0x2800  }
0x64: {  	[sflag:s10] =	ssyncset.done $0x0  }
0x65: {  	[sflag:s10] =	ssyncadd.s32 $0xFFFFD800  }
0x66: {  	_ =	sfence.sel $0x180000  }
0x67: {  	[bflag:$0x0] =	sbarrier.arrive $0xFFFF  }
0x68: {  	p0 =	sne.s32 s1, $0x0;
	_ =	strace $0x90000047  }
0x69: {  	s0 =	sadd.s32 @!p0 $0x100000, s2;
	[bflag:$0x2] =	sbarrier.arrive $0xFFFF  }
0x6a: {  	[sflag:s0] =	ssyncadd.tile.s32 @!p0 $0x1;
	_ =	shalt  }
.Lfunc_end2:
_tile_overlayer_lowered:
.L_overlay_start_2:
0x6b: {  	(tag) =	ssettag $0x2  }
0x6c: {  	s0 =	rddreg [dreg:$0x0];
	s2 =	stileid.u32  }
0x6d: {  	s1 =	rddreg [dreg:$0x1];
	p0 =	sne.s32 s2, $0x0  }
0x6e: {  	s3 =	rddreg [dreg:$0x2];
	[bflag:$0x3] =	sbarrier.arrive $0xFFFF;
	s2 =	simm.s32 @!p0 $0x1C01  }
0x6f: {  	[timem:s3], [sflag:s2] =	dma.local @!p0 [hbm:s0], s1  }
0x70: {  	s0 =	simm.s32 @!p0 $0x1  }
0x71: {  	_ =	swait.ge @!p0 [sflag:s0], s1  }
0x72: {  	s1 =	ssub.s32 @!p0 $0x0, s1;
	[sflag:s0] =	ssyncset.done @!p0 $0x0  }
0x73: {  	[sflag:s0] =	ssyncadd.s32 @!p0 s1  }
0x74: {  	[bflag:$0x3] =	sbarrier.arrive $0xFFFF  }
0x75: {  	_ =	shalt  }

</sc_bundles>
